<compile_context>
chip_gen: v7x
topology: tpu7x:2x2x1
jax: 0.10.2.dev20260603
libtpu: 0.0.44.dev20260713+nightly
codegen_flags: <defaults>
</compile_context>

<pallas_src>
import functools

import jax
import jax.numpy as jnp
from jax import lax
from jax.experimental import pallas as pl
from jax.experimental.pallas import tpu as pltpu
from jax.experimental.pallas import tpu_sc as plsc

V = 100000
F = 26
D = 32
B = 4096
NUM = 13
EPS = 1e-5

NC = 2
NS = 16
NW = NC * NS
ROWS = F * D
RPT = ROWS // NW


def _sc_gather(xcatT, tt):
    mesh = plsc.VectorSubcoreMesh(core_axis_name="c", subcore_axis_name="s")

    HA = 51200
    HB = V - HA

    @functools.partial(
        pl.kernel,
        mesh=mesh,
        out_type=jax.ShapeDtypeStruct((ROWS, B), jnp.float32),
        scratch_types=[
            pltpu.VMEM((B,), jnp.int32),
            pltpu.VMEM((HA,), jnp.float32),
            pltpu.VMEM((HB,), jnp.float32),
            pltpu.VMEM((B,), jnp.float32),
            pltpu.SemaphoreType.DMA,
            pltpu.SemaphoreType.DMA,
        ],
        compiler_params=pltpu.CompilerParams(needs_layout_passes=False),
    )
    def gather_k(xcatT_hbm, tt_hbm, g_hbm, idx_b, buf_a, buf_b, stage_b,
                 sem_a, sem_b):
        wid = lax.axis_index("s") * NC + lax.axis_index("c")
        base = wid * RPT

        def fd(j):
            r = base + j
            return r, r // D, lax.rem(r, D)

        def start_a(j):
            _, f, d = fd(j)
            pltpu.async_copy(tt_hbm.at[f, d, pl.ds(0, HA)], buf_a, sem_a)

        def start_b(j):
            _, f, d = fd(j)
            pltpu.async_copy(tt_hbm.at[f, d, pl.ds(HA, HB)], buf_b, sem_b)

        start_a(0)
        start_b(0)

        def row_body(j, f_prev):
            r, f, d = fd(j)

            @pl.when(f != f_prev)
            def _():
                pltpu.sync_copy(xcatT_hbm.at[f], idx_b)

            pltpu.make_async_copy(
                tt_hbm.at[f, d, pl.ds(0, HA)], buf_a, sem_a).wait()

            def inner_a(k, c):
                vv = idx_b[pl.ds(k * 16, 16)]
                vv = jnp.minimum(jnp.maximum(vv, 0), HA - 1)
                stage_b[pl.ds(k * 16, 16)] = plsc.load_gather(buf_a, [vv])
                return c

            lax.fori_loop(0, B // 16, inner_a, 0)

            @pl.when(j < RPT - 1)
            def _():
                start_a(j + 1)

            pltpu.make_async_copy(
                tt_hbm.at[f, d, pl.ds(HA, HB)], buf_b, sem_b).wait()

            def inner_b(k, c):
                vv = idx_b[pl.ds(k * 16, 16)]
                hi = vv >= HA
                loc = jnp.minimum(jnp.maximum(vv - HA, 0), HB - 1)
                g = plsc.load_gather(buf_b, [loc])
                prev = stage_b[pl.ds(k * 16, 16)]
                stage_b[pl.ds(k * 16, 16)] = jnp.where(hi, g, prev)
                return c

            lax.fori_loop(0, B // 16, inner_b, 0)

            @pl.when(j < RPT - 1)
            def _():
                start_b(j + 1)

            pltpu.sync_copy(stage_b, g_hbm.at[r])
            return f

        lax.fori_loop(0, RPT, row_body, -1)

    return gather_k(xcatT, tt)


def _bn_relu(y, g, bt):
    m = jnp.mean(y, axis=0, keepdims=True)
    c = y - m
    v = jnp.mean(c * c, axis=0, keepdims=True)
    return jnp.maximum(c * lax.rsqrt(v + EPS) * g + bt, 0.0)


def _mlp_body(g_ref, xnum_ref, w1a, w1b, b1, g1, bt1, w2, b2, g2, bt2,
              w3, b3, g3, bt3, w4, b4, out_ref):
    y = lax.dot_general(g_ref[...], w1a[...], (((0,), (0,)), ((), ())),
                        preferred_element_type=jnp.float32)
    y = y + jnp.dot(xnum_ref[...], w1b[...], preferred_element_type=jnp.float32)
    h = _bn_relu(y + b1[...], g1[...], bt1[...])
    y = jnp.dot(h, w2[...], preferred_element_type=jnp.float32) + b2[...]
    h = _bn_relu(y, g2[...], bt2[...])
    y = jnp.dot(h, w3[...], preferred_element_type=jnp.float32) + b3[...]
    h = _bn_relu(y, g3[...], bt3[...])
    out_ref[...] = jnp.dot(h, w4[...], preferred_element_type=jnp.float32) + b4[...]


def _mlp(G, x_num, W1a, W1b, b1, g1, bt1, W2, b2, g2, bt2,
         W3, b3, g3, bt3, W4, b4):
    return pl.pallas_call(
        _mlp_body,
        out_shape=jax.ShapeDtypeStruct((B, 1), jnp.float32),
    )(G, x_num, W1a, W1b, b1, g1, bt1, W2, b2, g2, bt2,
      W3, b3, g3, bt3, W4, b4)


def kernel(x_cat, x_num, tables, W1, b1, g1, bt1, W2, b2, g2, bt2,
           W3, b3, g3, bt3, W4, b4):
    xcatT = x_cat.astype(jnp.int32).T
    tt = tables.transpose(0, 2, 1)
    G = _sc_gather(xcatT, tt)
    W1a = W1[: F * D]
    W1b = W1[F * D:]
    r = lambda a: a.reshape(1, -1)
    out = _mlp(G, x_num, W1a, W1b, r(b1), r(g1), r(bt1),
               W2, r(b2), r(g2), r(bt2), W3, r(b3), r(g3), r(bt3),
               W4, r(b4))
    return out.reshape(B)

# --- scband reference (transcript-rebuilt; emitter-appended) ---
"""Pipeline reference for scband-embed-mlpbn-62130996904607 (READ-ONLY COPY).

The authoritative reference and input builder live on the scoring server;
editing this copy changes nothing except your own understanding.
"""

import jax, jax.numpy as jnp
import numpy as np

V = 100000
F = 26
D = 32
B = 4096
NUM = 13
HID = (256, 128, 64)
EPS = 1e-5


def setup_inputs(seed: int = 0) -> dict:
    key = jax.random.key(seed)
    ks = jax.random.split(key, 16)
    x_cat = jax.random.randint(ks[0], (B, F), 0, V, dtype=jnp.int64) if jax.config.read('jax_enable_x64') else jax.random.randint(ks[0], (B, F), 0, V, dtype=jnp.int32)
    x_num = jax.random.normal(ks[1], (B, NUM), dtype=jnp.float32)
    tables = jax.random.normal(ks[2], (F, V, D), dtype=jnp.float32) * 0.01
    in_dim = F * D + NUM
    dims = [in_dim] + list(HID)
    inp = {'x_cat': x_cat, 'x_num': x_num, 'tables': tables}
    for i in range(3):
        fan_in = dims[i]
        inp[f'W{i+1}'] = jax.random.normal(ks[3 + i], (dims[i], dims[i + 1]), dtype=jnp.float32) * (1.0 / np.sqrt(fan_in))
        inp[f'b{i+1}'] = jnp.zeros((dims[i + 1],), dtype=jnp.float32)
        inp[f'g{i+1}'] = jnp.ones((dims[i + 1],), dtype=jnp.float32)
        inp[f'bt{i+1}'] = jnp.zeros((dims[i + 1],), dtype=jnp.float32)
    inp['W4'] = jax.random.normal(ks[6], (dims[-1], 1), dtype=jnp.float32) * (1.0 / np.sqrt(dims[-1]))
    inp['b4'] = jnp.zeros((1,), dtype=jnp.float32)
    return inp


def _bn(x, g, b):
    m = jnp.mean(x, axis=0)
    v = jnp.var(x, axis=0)
    return (x - m) / jnp.sqrt(v + EPS) * g + b


def reference(x_cat, x_num, tables, W1, b1, g1, bt1, W2, b2, g2, bt2, W3, b3, g3, bt3, W4, b4):
    bsz = x_cat.shape[0]
    idx = jnp.clip(x_cat, 0, V - 1)
    # per-field embedding gather: tables[f, idx[:, f]] -> [B, F, D]
    emb = tables[jnp.arange(F)[None, :], idx]
    x_cat_emb = emb.reshape(bsz, F * D)
    x = jnp.concatenate([x_cat_emb, x_num], axis=1)
    h = jax.nn.relu(_bn(x @ W1 + b1, g1, bt1))
    h = jax.nn.relu(_bn(h @ W2 + b2, g2, bt2))
    h = jax.nn.relu(_bn(h @ W3 + b3, g3, bt3))
    out = (h @ W4 + b4).squeeze(-1)
    return out

if __name__ == "__main__":
    import jax
    _d = setup_inputs()
    print(jax.jit(kernel)(*tuple(_d.values())))

</pallas_src>

<mosaic_0001>
#map = affine_map<(d0, d1) -> (0, 0)>
#map1 = affine_map<(d0, d1) -> (0, 0, 0)>
module attributes {stable_mosaic.version = 14 : i64} {
  func.func @gather_k(%arg0: i32, %arg1: i32, %arg2: memref<26x4096xi32, #tpu.memory_space<hbm>>, %arg3: memref<26x32x100000xf32, #tpu.memory_space<hbm>>, %arg4: memref<832x4096xf32, #tpu.memory_space<hbm>>, %arg5: memref<4096xi32, #tpu.memory_space<vmem>>, %arg6: memref<51200xf32, #tpu.memory_space<vmem>>, %arg7: memref<48800xf32, #tpu.memory_space<vmem>>, %arg8: memref<4096xf32, #tpu.memory_space<vmem>>, %arg9: memref<!tpu.dma_semaphore, #tpu.memory_space<semaphore_mem>>, %arg10: memref<!tpu.dma_semaphore, #tpu.memory_space<semaphore_mem>>) attributes {dimension_semantics = [#tpu.dimension_semantics<core_parallel>, #tpu.dimension_semantics<subcore_parallel>], iteration_bounds = array<i64: 2, 16>, scalar_prefetch = 0 : i64, scratch_operands = 6 : i64, tpu.core_type = #tpu.core_type<sc_vector_subcore>, window_params = [{transform_indices = #map}, {transform_indices = #map1}, {transform_indices = #map}]} {
    %mul3A = arith.constant 2 : i32
    %mul3A_0 = arith.muli %arg1, %mul3A : i32
    %add3A = arith.addi %mul3A_0, %arg0 : i32
    %mul3A_1 = arith.constant 26 : i32
    %mul3A_2 = arith.muli %add3A, %mul3A_1 : i32
    %add3A_3 = arith.constant 0 : i32
    %add3A_4 = arith.addi %mul3A_2, %add3A_3 : i32
    %jit3A = arith.constant 32 : i32
    %div3A = arith.divsi %add3A_4, %jit3A : i32
    %sign3A = arith.constant 0 : i32
    %sign3A_5 = arith.cmpi sgt, %add3A_4, %sign3A : i32
    %sign3A_6 = arith.extui %sign3A_5 : i1 to i32
    %sign3A_7 = arith.constant 0 : i32
    %sign3A_8 = arith.cmpi slt, %add3A_4, %sign3A_7 : i32
    %sign3A_9 = arith.extui %sign3A_8 : i1 to i32
    %sign3A_10 = arith.subi %sign3A_6, %sign3A_9 : i32
    %sign3A_11 = arith.constant 0 : i32
    %sign3A_12 = arith.cmpi sgt, %jit3A, %sign3A_11 : i32
    %sign3A_13 = arith.extui %sign3A_12 : i1 to i32
    %sign3A_14 = arith.constant 0 : i32
    %sign3A_15 = arith.cmpi slt, %jit3A, %sign3A_14 : i32
    %sign3A_16 = arith.extui %sign3A_15 : i1 to i32
    %sign3A_17 = arith.subi %sign3A_13, %sign3A_16 : i32
    %ne3A = arith.cmpi ne, %sign3A_10, %sign3A_17 : i32
    %rem3A = arith.remsi %add3A_4, %jit3A : i32
    %ne3A_18 = arith.constant 0 : i32
    %ne3A_19 = arith.cmpi ne, %rem3A, %ne3A_18 : i32
    %and3A = arith.andi %ne3A, %ne3A_19 : i1
    %sub3A = arith.constant 1 : i32
    %sub3A_20 = arith.subi %div3A, %sub3A : i32
    %select_n3A = arith.select %and3A, %sub3A_20, %div3A : i32
    %rem3A_21 = arith.constant 32 : i32
    %rem3A_22 = arith.remsi %add3A_4, %rem3A_21 : i32
    %dma_start3A = arith.constant 0 : i32
    %dma_start3A_23 = tpu.memref_slice %arg3[%select_n3A, %rem3A_22, %dma_start3A] : memref<26x32x100000xf32, #tpu.memory_space<hbm>> -> memref<1x1x51200xf32, #tpu.memory_space<hbm>>
    %dma_start3A_24 = tpu.memref_squeeze %dma_start3A_23 : memref<1x1x51200xf32, #tpu.memory_space<hbm>> -> memref<51200xf32, #tpu.memory_space<hbm>>
    %dma_start3A_25 = arith.constant 0 : i32
    %dma_start3A_26 = tpu.memref_slice %arg3[%select_n3A, %rem3A_22, %dma_start3A_25] : memref<26x32x100000xf32, #tpu.memory_space<hbm>> -> memref<1x1x51200xf32, #tpu.memory_space<hbm>>
    %dma_start3A_27 = tpu.memref_squeeze %dma_start3A_26 : memref<1x1x51200xf32, #tpu.memory_space<hbm>> -> memref<51200xf32, #tpu.memory_space<hbm>>
    tpu.enqueue_dma source(%dma_start3A_27 : memref<51200xf32, #tpu.memory_space<hbm>>) target(%arg6 : memref<51200xf32, #tpu.memory_space<vmem>>) target_semaphore(%arg9 : memref<!tpu.dma_semaphore, #tpu.memory_space<semaphore_mem>>)
    %add3A_28 = arith.constant 0 : i32
    %add3A_29 = arith.addi %mul3A_2, %add3A_28 : i32
    %jit3A_30 = arith.constant 32 : i32
    %div3A_31 = arith.divsi %add3A_29, %jit3A_30 : i32
    %sign3A_32 = arith.constant 0 : i32
    %sign3A_33 = arith.cmpi sgt, %add3A_29, %sign3A_32 : i32
    %sign3A_34 = arith.extui %sign3A_33 : i1 to i32
    %sign3A_35 = arith.constant 0 : i32
    %sign3A_36 = arith.cmpi slt, %add3A_29, %sign3A_35 : i32
    %sign3A_37 = arith.extui %sign3A_36 : i1 to i32
    %sign3A_38 = arith.subi %sign3A_34, %sign3A_37 : i32
    %sign3A_39 = arith.constant 0 : i32
    %sign3A_40 = arith.cmpi sgt, %jit3A_30, %sign3A_39 : i32
    %sign3A_41 = arith.extui %sign3A_40 : i1 to i32
    %sign3A_42 = arith.constant 0 : i32
    %sign3A_43 = arith.cmpi slt, %jit3A_30, %sign3A_42 : i32
    %sign3A_44 = arith.extui %sign3A_43 : i1 to i32
    %sign3A_45 = arith.subi %sign3A_41, %sign3A_44 : i32
    %ne3A_46 = arith.cmpi ne, %sign3A_38, %sign3A_45 : i32
    %rem3A_47 = arith.remsi %add3A_29, %jit3A_30 : i32
    %ne3A_48 = arith.constant 0 : i32
    %ne3A_49 = arith.cmpi ne, %rem3A_47, %ne3A_48 : i32
    %and3A_50 = arith.andi %ne3A_46, %ne3A_49 : i1
    %sub3A_51 = arith.constant 1 : i32
    %sub3A_52 = arith.subi %div3A_31, %sub3A_51 : i32
    %select_n3A_53 = arith.select %and3A_50, %sub3A_52, %div3A_31 : i32
    %rem3A_54 = arith.constant 32 : i32
    %rem3A_55 = arith.remsi %add3A_29, %rem3A_54 : i32
    %dma_start3A_56 = arith.constant 51200 : i32
    %dma_start3A_57 = tpu.memref_slice %arg3[%select_n3A_53, %rem3A_55, %dma_start3A_56] : memref<26x32x100000xf32, #tpu.memory_space<hbm>> -> memref<1x1x48800xf32, #tpu.memory_space<hbm>>
    %dma_start3A_58 = tpu.memref_squeeze %dma_start3A_57 : memref<1x1x48800xf32, #tpu.memory_space<hbm>> -> memref<48800xf32, #tpu.memory_space<hbm>>
    %dma_start3A_59 = arith.constant 51200 : i32
    %dma_start3A_60 = tpu.memref_slice %arg3[%select_n3A_53, %rem3A_55, %dma_start3A_59] : memref<26x32x100000xf32, #tpu.memory_space<hbm>> -> memref<1x1x48800xf32, #tpu.memory_space<hbm>>
    %dma_start3A_61 = tpu.memref_squeeze %dma_start3A_60 : memref<1x1x48800xf32, #tpu.memory_space<hbm>> -> memref<48800xf32, #tpu.memory_space<hbm>>
    tpu.enqueue_dma source(%dma_start3A_61 : memref<48800xf32, #tpu.memory_space<hbm>>) target(%arg7 : memref<48800xf32, #tpu.memory_space<vmem>>) target_semaphore(%arg10 : memref<!tpu.dma_semaphore, #tpu.memory_space<semaphore_mem>>)
    %scan3A = arith.constant -1 : i32
    %scan3A_62 = arith.constant 0 : i32
    %scan3A_63 = arith.constant 26 : i32
    %scan3A_64 = arith.addi %scan3A_62, %scan3A_63 : i32
    %scan3A_65 = arith.constant 1 : i32
    %scan3A_66 = scf.for %scan3A_68 = %scan3A_62 to %scan3A_64 step %scan3A_65 iter_args(%scan3A_69 = %scan3A) -> (i32)  : i32 {
      %add3A_70 = arith.addi %mul3A_2, %scan3A_68 : i32
      %jit3A_71 = arith.constant 32 : i32
      %div3A_72 = arith.divsi %add3A_70, %jit3A_71 : i32
      %sign3A_73 = arith.constant 0 : i32
      %sign3A_74 = arith.cmpi sgt, %add3A_70, %sign3A_73 : i32
      %sign3A_75 = arith.extui %sign3A_74 : i1 to i32
      %sign3A_76 = arith.constant 0 : i32
      %sign3A_77 = arith.cmpi slt, %add3A_70, %sign3A_76 : i32
      %sign3A_78 = arith.extui %sign3A_77 : i1 to i32
      %sign3A_79 = arith.subi %sign3A_75, %sign3A_78 : i32
      %sign3A_80 = arith.constant 0 : i32
      %sign3A_81 = arith.cmpi sgt, %jit3A_71, %sign3A_80 : i32
      %sign3A_82 = arith.extui %sign3A_81 : i1 to i32
      %sign3A_83 = arith.constant 0 : i32
      %sign3A_84 = arith.cmpi slt, %jit3A_71, %sign3A_83 : i32
      %sign3A_85 = arith.extui %sign3A_84 : i1 to i32
      %sign3A_86 = arith.subi %sign3A_82, %sign3A_85 : i32
      %ne3A_87 = arith.cmpi ne, %sign3A_79, %sign3A_86 : i32
      %rem3A_88 = arith.remsi %add3A_70, %jit3A_71 : i32
      %ne3A_89 = arith.constant 0 : i32
      %ne3A_90 = arith.cmpi ne, %rem3A_88, %ne3A_89 : i32
      %and3A_91 = arith.andi %ne3A_87, %ne3A_90 : i1
      %sub3A_92 = arith.constant 1 : i32
      %sub3A_93 = arith.subi %div3A_72, %sub3A_92 : i32
      %select_n3A_94 = arith.select %and3A_91, %sub3A_93, %div3A_72 : i32
      %rem3A_95 = arith.constant 32 : i32
      %rem3A_96 = arith.remsi %add3A_70, %rem3A_95 : i32
      %ne3A_97 = arith.cmpi ne, %select_n3A_94, %scan3A_69 : i32
      %convert_element_type3A = arith.extui %ne3A_97 : i1 to i32
      %cond3A = arith.constant 0 : i32
      %cond3A_98 = arith.cmpi ne, %convert_element_type3A, %cond3A : i32
      scf.if %cond3A_98 {
        "tpu.region"() ({
          %run_scoped3A = tpu.sem_alloc : memref<!tpu.dma_semaphore, #tpu.memory_space<semaphore_mem>>
          %dma_start3A_131 = arith.constant 0 : i32
          %dma_start3A_132 = tpu.memref_slice %arg2[%select_n3A_94, %dma_start3A_131] : memref<26x4096xi32, #tpu.memory_space<hbm>> -> memref<1x4096xi32, #tpu.memory_space<hbm>>
          %dma_start3A_133 = tpu.memref_squeeze %dma_start3A_132 : memref<1x4096xi32, #tpu.memory_space<hbm>> -> memref<4096xi32, #tpu.memory_space<hbm>>
          %dma_start3A_134 = arith.constant 0 : i32
          %dma_start3A_135 = tpu.memref_slice %arg2[%select_n3A_94, %dma_start3A_134] : memref<26x4096xi32, #tpu.memory_space<hbm>> -> memref<1x4096xi32, #tpu.memory_space<hbm>>
          %dma_start3A_136 = tpu.memref_squeeze %dma_start3A_135 : memref<1x4096xi32, #tpu.memory_space<hbm>> -> memref<4096xi32, #tpu.memory_space<hbm>>
          tpu.enqueue_dma source(%dma_start3A_136 : memref<4096xi32, #tpu.memory_space<hbm>>) target(%arg5 : memref<4096xi32, #tpu.memory_space<vmem>>) target_semaphore(%run_scoped3A : memref<!tpu.dma_semaphore, #tpu.memory_space<semaphore_mem>>)
          %dma_wait3A_137 = arith.constant 0 : i32
          %dma_wait3A_138 = tpu.memref_slice %arg2[%select_n3A_94, %dma_wait3A_137] : memref<26x4096xi32, #tpu.memory_space<hbm>> -> memref<1x4096xi32, #tpu.memory_space<hbm>>
          %dma_wait3A_139 = tpu.memref_squeeze %dma_wait3A_138 : memref<1x4096xi32, #tpu.memory_space<hbm>> -> memref<4096xi32, #tpu.memory_space<hbm>>
          %dma_wait3A_140 = arith.constant 0 : i32
          %dma_wait3A_141 = tpu.memref_slice %arg2[%select_n3A_94, %dma_wait3A_140] : memref<26x4096xi32, #tpu.memory_space<hbm>> -> memref<1x4096xi32, #tpu.memory_space<hbm>>
          %dma_wait3A_142 = tpu.memref_squeeze %dma_wait3A_141 : memref<1x4096xi32, #tpu.memory_space<hbm>> -> memref<4096xi32, #tpu.memory_space<hbm>>
          tpu.wait_dma2 semaphore(%run_scoped3A : memref<!tpu.dma_semaphore, #tpu.memory_space<semaphore_mem>>) src(%dma_wait3A_142 : memref<4096xi32, #tpu.memory_space<hbm>>) dst(%arg5 : memref<4096xi32, #tpu.memory_space<vmem>>)
          tpu.yield
        }) : () -> ()
      } else {
      }
      %dma_wait3A = arith.constant 0 : i32
      %dma_wait3A_99 = tpu.memref_slice %arg3[%select_n3A_94, %rem3A_96, %dma_wait3A] : memref<26x32x100000xf32, #tpu.memory_space<hbm>> -> memref<1x1x51200xf32, #tpu.memory_space<hbm>>
      %dma_wait3A_100 = tpu.memref_squeeze %dma_wait3A_99 : memref<1x1x51200xf32, #tpu.memory_space<hbm>> -> memref<51200xf32, #tpu.memory_space<hbm>>
      %dma_wait3A_101 = arith.constant 0 : i32
      %dma_wait3A_102 = tpu.memref_slice %arg3[%select_n3A_94, %rem3A_96, %dma_wait3A_101] : memref<26x32x100000xf32, #tpu.memory_space<hbm>> -> memref<1x1x51200xf32, #tpu.memory_space<hbm>>
      %dma_wait3A_103 = tpu.memref_squeeze %dma_wait3A_102 : memref<1x1x51200xf32, #tpu.memory_space<hbm>> -> memref<51200xf32, #tpu.memory_space<hbm>>
      tpu.wait_dma2 semaphore(%arg9 : memref<!tpu.dma_semaphore, #tpu.memory_space<semaphore_mem>>) src(%dma_wait3A_103 : memref<51200xf32, #tpu.memory_space<hbm>>) dst(%arg6 : memref<51200xf32, #tpu.memory_space<vmem>>)
      %scan3A_104 = arith.constant 0 : i32
      %scan3A_105 = arith.constant 0 : i32
      %scan3A_106 = arith.constant 256 : i32
      %scan3A_107 = arith.addi %scan3A_105, %scan3A_106 : i32
      %scan3A_108 = arith.constant 1 : i32
      scf.for %scan3A_131 = %scan3A_105 to %scan3A_107 step %scan3A_108  : i32 {
        %mul3A_132 = arith.constant 16 : i32
        %mul3A_133 = arith.muli %scan3A_131, %mul3A_132 : i32
        %get3A = arith.index_cast %mul3A_133 : i32 to index
        %get3A_134 = tpu.vector_load %arg5[%get3A] {strides = array<i32>} : memref<4096xi32, #tpu.memory_space<vmem>>, vector<16xi32>,
        %max3A = arith.constant 0 : i32
        %max3A_135 = vector.broadcast %max3A : i32 to vector<16xi32>
        %max3A_136 = arith.maxsi %get3A_134, %max3A_135 : vector<16xi32>
        %min3A = arith.constant 51199 : i32
        %min3A_137 = vector.broadcast %min3A : i32 to vector<16xi32>
        %min3A_138 = arith.minsi %max3A_136, %min3A_137 : vector<16xi32>
        %gather3A = tpu.vector_load_idx %arg6[%min3A_138] : memref<51200xf32, #tpu.memory_space<vmem>>[vector<16xi32>], vector<16xf32>,
        %mul3A_139 = arith.constant 16 : i32
        %mul3A_140 = arith.muli %scan3A_131, %mul3A_139 : i32
        %swap3A = arith.index_cast %mul3A_140 : i32 to index
        %swap3A_141 = tpu.vector_load %arg8[%swap3A] {strides = array<i32>} : memref<4096xf32, #tpu.memory_space<vmem>>, vector<16xf32>,
        tpu.vector_store %arg8[%swap3A], %gather3A {strides = array<i32>} : memref<4096xf32, #tpu.memory_space<vmem>>, vector<16xf32>,
      }
      %scan3A_109 = arith.constant 256 : i32
      %lt3A = arith.constant 25 : i32
      %lt3A_110 = arith.cmpi slt, %scan3A_68, %lt3A : i32
      %convert_element_type3A_111 = arith.extui %lt3A_110 : i1 to i32
      %cond3A_112 = arith.constant 0 : i32
      %cond3A_113 = arith.cmpi ne, %convert_element_type3A_111, %cond3A_112 : i32
      scf.if %cond3A_113 {
        %add3A_131 = arith.constant 1 : i32
        %add3A_132 = arith.addi %scan3A_68, %add3A_131 : i32
        %add3A_133 = arith.addi %mul3A_2, %add3A_132 : i32
        %jit3A_134 = arith.constant 32 : i32
        %div3A_135 = arith.divsi %add3A_133, %jit3A_134 : i32
        %sign3A_136 = arith.constant 0 : i32
        %sign3A_137 = arith.cmpi sgt, %add3A_133, %sign3A_136 : i32
        %sign3A_138 = arith.extui %sign3A_137 : i1 to i32
        %sign3A_139 = arith.constant 0 : i32
        %sign3A_140 = arith.cmpi slt, %add3A_133, %sign3A_139 : i32
        %sign3A_141 = arith.extui %sign3A_140 : i1 to i32
        %sign3A_142 = arith.subi %sign3A_138, %sign3A_141 : i32
        %sign3A_143 = arith.constant 0 : i32
        %sign3A_144 = arith.cmpi sgt, %jit3A_134, %sign3A_143 : i32
        %sign3A_145 = arith.extui %sign3A_144 : i1 to i32
        %sign3A_146 = arith.constant 0 : i32
        %sign3A_147 = arith.cmpi slt, %jit3A_134, %sign3A_146 : i32
        %sign3A_148 = arith.extui %sign3A_147 : i1 to i32
        %sign3A_149 = arith.subi %sign3A_145, %sign3A_148 : i32
        %ne3A_150 = arith.cmpi ne, %sign3A_142, %sign3A_149 : i32
        %rem3A_151 = arith.remsi %add3A_133, %jit3A_134 : i32
        %ne3A_152 = arith.constant 0 : i32
        %ne3A_153 = arith.cmpi ne, %rem3A_151, %ne3A_152 : i32
        %and3A_154 = arith.andi %ne3A_150, %ne3A_153 : i1
        %sub3A_155 = arith.constant 1 : i32
        %sub3A_156 = arith.subi %div3A_135, %sub3A_155 : i32
        %select_n3A_157 = arith.select %and3A_154, %sub3A_156, %div3A_135 : i32
        %rem3A_158 = arith.constant 32 : i32
        %rem3A_159 = arith.remsi %add3A_133, %rem3A_158 : i32
        %dma_start3A_160 = arith.constant 0 : i32
        %dma_start3A_161 = tpu.memref_slice %arg3[%select_n3A_157, %rem3A_159, %dma_start3A_160] : memref<26x32x100000xf32, #tpu.memory_space<hbm>> -> memref<1x1x51200xf32, #tpu.memory_space<hbm>>
        %dma_start3A_162 = tpu.memref_squeeze %dma_start3A_161 : memref<1x1x51200xf32, #tpu.memory_space<hbm>> -> memref<51200xf32, #tpu.memory_space<hbm>>
        %dma_start3A_163 = arith.constant 0 : i32
        %dma_start3A_164 = tpu.memref_slice %arg3[%select_n3A_157, %rem3A_159, %dma_start3A_163] : memref<26x32x100000xf32, #tpu.memory_space<hbm>> -> memref<1x1x51200xf32, #tpu.memory_space<hbm>>
        %dma_start3A_165 = tpu.memref_squeeze %dma_start3A_164 : memref<1x1x51200xf32, #tpu.memory_space<hbm>> -> memref<51200xf32, #tpu.memory_space<hbm>>
        tpu.enqueue_dma source(%dma_start3A_165 : memref<51200xf32, #tpu.memory_space<hbm>>) target(%arg6 : memref<51200xf32, #tpu.memory_space<vmem>>) target_semaphore(%arg9 : memref<!tpu.dma_semaphore, #tpu.memory_space<semaphore_mem>>)
      } else {
      }
      %dma_wait3A_114 = arith.constant 51200 : i32
      %dma_wait3A_115 = tpu.memref_slice %arg3[%select_n3A_94, %rem3A_96, %dma_wait3A_114] : memref<26x32x100000xf32, #tpu.memory_space<hbm>> -> memref<1x1x48800xf32, #tpu.memory_space<hbm>>
      %dma_wait3A_116 = tpu.memref_squeeze %dma_wait3A_115 : memref<1x1x48800xf32, #tpu.memory_space<hbm>> -> memref<48800xf32, #tpu.memory_space<hbm>>
      %dma_wait3A_117 = arith.constant 51200 : i32
      %dma_wait3A_118 = tpu.memref_slice %arg3[%select_n3A_94, %rem3A_96, %dma_wait3A_117] : memref<26x32x100000xf32, #tpu.memory_space<hbm>> -> memref<1x1x48800xf32, #tpu.memory_space<hbm>>
      %dma_wait3A_119 = tpu.memref_squeeze %dma_wait3A_118 : memref<1x1x48800xf32, #tpu.memory_space<hbm>> -> memref<48800xf32, #tpu.memory_space<hbm>>
      tpu.wait_dma2 semaphore(%arg10 : memref<!tpu.dma_semaphore, #tpu.memory_space<semaphore_mem>>) src(%dma_wait3A_119 : memref<48800xf32, #tpu.memory_space<hbm>>) dst(%arg7 : memref<48800xf32, #tpu.memory_space<vmem>>)
      %scan3A_120 = arith.constant 0 : i32
      %scan3A_121 = arith.constant 0 : i32
      %scan3A_122 = arith.constant 256 : i32
      %scan3A_123 = arith.addi %scan3A_121, %scan3A_122 : i32
      %scan3A_124 = arith.constant 1 : i32
      scf.for %scan3A_131 = %scan3A_121 to %scan3A_123 step %scan3A_124  : i32 {
        %mul3A_132 = arith.constant 16 : i32
        %mul3A_133 = arith.muli %scan3A_131, %mul3A_132 : i32
        %get3A = arith.index_cast %mul3A_133 : i32 to index
        %get3A_134 = tpu.vector_load %arg5[%get3A] {strides = array<i32>} : memref<4096xi32, #tpu.memory_space<vmem>>, vector<16xi32>,
        %ge3A = arith.constant 51200 : i32
        %ge3A_135 = vector.broadcast %ge3A : i32 to vector<16xi32>
        %ge3A_136 = arith.cmpi sge, %get3A_134, %ge3A_135 : vector<16xi32>
        %sub3A_137 = arith.constant 51200 : i32
        %sub3A_138 = vector.broadcast %sub3A_137 : i32 to vector<16xi32>
        %sub3A_139 = arith.subi %get3A_134, %sub3A_138 : vector<16xi32>
        %max3A = arith.constant 0 : i32
        %max3A_140 = vector.broadcast %max3A : i32 to vector<16xi32>
        %max3A_141 = arith.maxsi %sub3A_139, %max3A_140 : vector<16xi32>
        %min3A = arith.constant 48799 : i32
        %min3A_142 = vector.broadcast %min3A : i32 to vector<16xi32>
        %min3A_143 = arith.minsi %max3A_141, %min3A_142 : vector<16xi32>
        %gather3A = tpu.vector_load_idx %arg7[%min3A_143] : memref<48800xf32, #tpu.memory_space<vmem>>[vector<16xi32>], vector<16xf32>,
        %mul3A_144 = arith.constant 16 : i32
        %mul3A_145 = arith.muli %scan3A_131, %mul3A_144 : i32
        %get3A_146 = arith.index_cast %mul3A_145 : i32 to index
        %get3A_147 = tpu.vector_load %arg8[%get3A_146] {strides = array<i32>} : memref<4096xf32, #tpu.memory_space<vmem>>, vector<16xf32>,
        %select_n3A_148 = arith.select %ge3A_136, %gather3A, %get3A_147 : vector<16xi1>, vector<16xf32>
        %mul3A_149 = arith.constant 16 : i32
        %mul3A_150 = arith.muli %scan3A_131, %mul3A_149 : i32
        %swap3A = arith.index_cast %mul3A_150 : i32 to index
        %swap3A_151 = tpu.vector_load %arg8[%swap3A] {strides = array<i32>} : memref<4096xf32, #tpu.memory_space<vmem>>, vector<16xf32>,
        tpu.vector_store %arg8[%swap3A], %select_n3A_148 {strides = array<i32>} : memref<4096xf32, #tpu.memory_space<vmem>>, vector<16xf32>,
      }
      %scan3A_125 = arith.constant 256 : i32
      %lt3A_126 = arith.constant 25 : i32
      %lt3A_127 = arith.cmpi slt, %scan3A_68, %lt3A_126 : i32
      %convert_element_type3A_128 = arith.extui %lt3A_127 : i1 to i32
      %cond3A_129 = arith.constant 0 : i32
      %cond3A_130 = arith.cmpi ne, %convert_element_type3A_128, %cond3A_129 : i32
      scf.if %cond3A_130 {
        %add3A_131 = arith.constant 1 : i32
        %add3A_132 = arith.addi %scan3A_68, %add3A_131 : i32
        %add3A_133 = arith.addi %mul3A_2, %add3A_132 : i32
        %jit3A_134 = arith.constant 32 : i32
        %div3A_135 = arith.divsi %add3A_133, %jit3A_134 : i32
        %sign3A_136 = arith.constant 0 : i32
        %sign3A_137 = arith.cmpi sgt, %add3A_133, %sign3A_136 : i32
        %sign3A_138 = arith.extui %sign3A_137 : i1 to i32
        %sign3A_139 = arith.constant 0 : i32
        %sign3A_140 = arith.cmpi slt, %add3A_133, %sign3A_139 : i32
        %sign3A_141 = arith.extui %sign3A_140 : i1 to i32
        %sign3A_142 = arith.subi %sign3A_138, %sign3A_141 : i32
        %sign3A_143 = arith.constant 0 : i32
        %sign3A_144 = arith.cmpi sgt, %jit3A_134, %sign3A_143 : i32
        %sign3A_145 = arith.extui %sign3A_144 : i1 to i32
        %sign3A_146 = arith.constant 0 : i32
        %sign3A_147 = arith.cmpi slt, %jit3A_134, %sign3A_146 : i32
        %sign3A_148 = arith.extui %sign3A_147 : i1 to i32
        %sign3A_149 = arith.subi %sign3A_145, %sign3A_148 : i32
        %ne3A_150 = arith.cmpi ne, %sign3A_142, %sign3A_149 : i32
        %rem3A_151 = arith.remsi %add3A_133, %jit3A_134 : i32
        %ne3A_152 = arith.constant 0 : i32
        %ne3A_153 = arith.cmpi ne, %rem3A_151, %ne3A_152 : i32
        %and3A_154 = arith.andi %ne3A_150, %ne3A_153 : i1
        %sub3A_155 = arith.constant 1 : i32
        %sub3A_156 = arith.subi %div3A_135, %sub3A_155 : i32
        %select_n3A_157 = arith.select %and3A_154, %sub3A_156, %div3A_135 : i32
        %rem3A_158 = arith.constant 32 : i32
        %rem3A_159 = arith.remsi %add3A_133, %rem3A_158 : i32
        %dma_start3A_160 = arith.constant 51200 : i32
        %dma_start3A_161 = tpu.memref_slice %arg3[%select_n3A_157, %rem3A_159, %dma_start3A_160] : memref<26x32x100000xf32, #tpu.memory_space<hbm>> -> memref<1x1x48800xf32, #tpu.memory_space<hbm>>
        %dma_start3A_162 = tpu.memref_squeeze %dma_start3A_161 : memref<1x1x48800xf32, #tpu.memory_space<hbm>> -> memref<48800xf32, #tpu.memory_space<hbm>>
        %dma_start3A_163 = arith.constant 51200 : i32
        %dma_start3A_164 = tpu.memref_slice %arg3[%select_n3A_157, %rem3A_159, %dma_start3A_163] : memref<26x32x100000xf32, #tpu.memory_space<hbm>> -> memref<1x1x48800xf32, #tpu.memory_space<hbm>>
        %dma_start3A_165 = tpu.memref_squeeze %dma_start3A_164 : memref<1x1x48800xf32, #tpu.memory_space<hbm>> -> memref<48800xf32, #tpu.memory_space<hbm>>
        tpu.enqueue_dma source(%dma_start3A_165 : memref<48800xf32, #tpu.memory_space<hbm>>) target(%arg7 : memref<48800xf32, #tpu.memory_space<vmem>>) target_semaphore(%arg10 : memref<!tpu.dma_semaphore, #tpu.memory_space<semaphore_mem>>)
      } else {
      }
      "tpu.region"() ({
        %run_scoped3A = tpu.sem_alloc : memref<!tpu.dma_semaphore, #tpu.memory_space<semaphore_mem>>
        %dma_start3A_131 = arith.constant 0 : i32
        %dma_start3A_132 = tpu.memref_slice %arg4[%add3A_70, %dma_start3A_131] : memref<832x4096xf32, #tpu.memory_space<hbm>> -> memref<1x4096xf32, #tpu.memory_space<hbm>>
        %dma_start3A_133 = tpu.memref_squeeze %dma_start3A_132 : memref<1x4096xf32, #tpu.memory_space<hbm>> -> memref<4096xf32, #tpu.memory_space<hbm>>
        %dma_start3A_134 = arith.constant 0 : i32
        %dma_start3A_135 = tpu.memref_slice %arg4[%add3A_70, %dma_start3A_134] : memref<832x4096xf32, #tpu.memory_space<hbm>> -> memref<1x4096xf32, #tpu.memory_space<hbm>>
        %dma_start3A_136 = tpu.memref_squeeze %dma_start3A_135 : memref<1x4096xf32, #tpu.memory_space<hbm>> -> memref<4096xf32, #tpu.memory_space<hbm>>
        tpu.enqueue_dma source(%arg8 : memref<4096xf32, #tpu.memory_space<vmem>>) target(%dma_start3A_136 : memref<4096xf32, #tpu.memory_space<hbm>>) target_semaphore(%run_scoped3A : memref<!tpu.dma_semaphore, #tpu.memory_space<semaphore_mem>>)
        %dma_wait3A_137 = arith.constant 0 : i32
        %dma_wait3A_138 = tpu.memref_slice %arg4[%add3A_70, %dma_wait3A_137] : memref<832x4096xf32, #tpu.memory_space<hbm>> -> memref<1x4096xf32, #tpu.memory_space<hbm>>
        %dma_wait3A_139 = tpu.memref_squeeze %dma_wait3A_138 : memref<1x4096xf32, #tpu.memory_space<hbm>> -> memref<4096xf32, #tpu.memory_space<hbm>>
        %dma_wait3A_140 = arith.constant 0 : i32
        %dma_wait3A_141 = tpu.memref_slice %arg4[%add3A_70, %dma_wait3A_140] : memref<832x4096xf32, #tpu.memory_space<hbm>> -> memref<1x4096xf32, #tpu.memory_space<hbm>>
        %dma_wait3A_142 = tpu.memref_squeeze %dma_wait3A_141 : memref<1x4096xf32, #tpu.memory_space<hbm>> -> memref<4096xf32, #tpu.memory_space<hbm>>
        tpu.wait_dma2 semaphore(%run_scoped3A : memref<!tpu.dma_semaphore, #tpu.memory_space<semaphore_mem>>) src(%arg8 : memref<4096xf32, #tpu.memory_space<vmem>>) dst(%dma_wait3A_142 : memref<4096xf32, #tpu.memory_space<hbm>>)
        tpu.yield
      }) : () -> ()
      scf.yield %select_n3A_94 : i32
    }
    %scan3A_67 = arith.constant 26 : i32
    return
  }
}

module attributes {stable_mosaic.version = 14 : i64} {
  func.func @_mlp_body(%arg0: memref<832x4096xf32, #tpu.memory_space<vmem>>, %arg1: memref<4096x13xf32, #tpu.memory_space<vmem>>, %arg2: memref<832x256xf32, #tpu.memory_space<vmem>>, %arg3: memref<13x256xf32, #tpu.memory_space<vmem>>, %arg4: memref<1x256xf32, #tpu.memory_space<vmem>>, %arg5: memref<1x256xf32, #tpu.memory_space<vmem>>, %arg6: memref<1x256xf32, #tpu.memory_space<vmem>>, %arg7: memref<256x128xf32, #tpu.memory_space<vmem>>, %arg8: memref<1x128xf32, #tpu.memory_space<vmem>>, %arg9: memref<1x128xf32, #tpu.memory_space<vmem>>, %arg10: memref<1x128xf32, #tpu.memory_space<vmem>>, %arg11: memref<128x64xf32, #tpu.memory_space<vmem>>, %arg12: memref<1x64xf32, #tpu.memory_space<vmem>>, %arg13: memref<1x64xf32, #tpu.memory_space<vmem>>, %arg14: memref<1x64xf32, #tpu.memory_space<vmem>>, %arg15: memref<64x1xf32, #tpu.memory_space<vmem>>, %arg16: memref<1x1xf32, #tpu.memory_space<vmem>>, %arg17: memref<4096x1xf32, #tpu.memory_space<vmem>>) attributes {dimension_semantics = [], scalar_prefetch = 0 : i64, scratch_operands = 0 : i64, tpu.core_type = #tpu.core_type<tc>} {
    %get3A = arith.constant 0 : index
    %get3A_0 = arith.constant 0 : index
    %get3A_1 = vector.load %arg0[%get3A, %get3A_0] : memref<832x4096xf32, #tpu.memory_space<vmem>>, vector<832x4096xf32>
    %get3A_2 = arith.constant 0 : index
    %get3A_3 = arith.constant 0 : index
    %get3A_4 = vector.load %arg2[%get3A_2, %get3A_3] : memref<832x256xf32, #tpu.memory_space<vmem>>, vector<832x256xf32>
    %dot_general3A = arith.constant dense<0.000000e+00> : vector<4096x256xf32>
    %dot_general3A_5 = tpu.matmul %get3A_1, %get3A_4, %dot_general3A {dimension_numbers = #tpu.dot_dimension_numbers<[0], [0], [1], [1], [0, 1, 1, 1], [], []>, transpose_lhs_hint = false} : vector<832x4096xf32>, vector<832x256xf32>, vector<4096x256xf32> -> vector<4096x256xf32>
    %get3A_6 = arith.constant 0 : index
    %get3A_7 = arith.constant 0 : index
    %get3A_8 = vector.load %arg1[%get3A_6, %get3A_7] : memref<4096x13xf32, #tpu.memory_space<vmem>>, vector<4096x13xf32>
    %get3A_9 = arith.constant 0 : index
    %get3A_10 = arith.constant 0 : index
    %get3A_11 = vector.load %arg3[%get3A_9, %get3A_10] : memref<13x256xf32, #tpu.memory_space<vmem>>, vector<13x256xf32>
    %dot_general3A_12 = arith.constant dense<0.000000e+00> : vector<4096x256xf32>
    %dot_general3A_13 = tpu.matmul %get3A_8, %get3A_11, %dot_general3A_12 {dimension_numbers = #tpu.dot_dimension_numbers<[1], [0], [0], [1], [0, 0, 1, 1], [], []>, transpose_lhs_hint = false} : vector<4096x13xf32>, vector<13x256xf32>, vector<4096x256xf32> -> vector<4096x256xf32>
    %add3A = arith.addf %dot_general3A_5, %dot_general3A_13 : vector<4096x256xf32>
    %get3A_14 = arith.constant 0 : index
    %get3A_15 = arith.constant 0 : index
    %get3A_16 = vector.load %arg4[%get3A_14, %get3A_15] : memref<1x256xf32, #tpu.memory_space<vmem>>, vector<1x256xf32>
    %add3A_17 = vector.broadcast %get3A_16 : vector<1x256xf32> to vector<4096x256xf32>
    %add3A_18 = arith.addf %add3A, %add3A_17 : vector<4096x256xf32>
    %get3A_19 = arith.constant 0 : index
    %get3A_20 = arith.constant 0 : index
    %get3A_21 = vector.load %arg5[%get3A_19, %get3A_20] : memref<1x256xf32, #tpu.memory_space<vmem>>, vector<1x256xf32>
    %get3A_22 = arith.constant 0 : index
    %get3A_23 = arith.constant 0 : index
    %get3A_24 = vector.load %arg6[%get3A_22, %get3A_23] : memref<1x256xf32, #tpu.memory_space<vmem>>, vector<1x256xf32>
    %reduce_sum3A = arith.constant dense<0.000000e+00> : vector<256xf32>
    %reduce_sum3A_25 = vector.multi_reduction <add>, %add3A_18, %reduce_sum3A [0] : vector<4096x256xf32> to vector<256xf32>
    %broadcast_in_dim3A = vector.shape_cast %reduce_sum3A_25 : vector<256xf32> to vector<1x256xf32>
    %div3A = arith.constant 4.096000e+03 : f32
    %div3A_26 = vector.broadcast %div3A : f32 to vector<1x256xf32>
    %div3A_27 = arith.divf %broadcast_in_dim3A, %div3A_26 : vector<1x256xf32>
    %sub3A = vector.broadcast %div3A_27 : vector<1x256xf32> to vector<4096x256xf32>
    %sub3A_28 = arith.subf %add3A_18, %sub3A : vector<4096x256xf32>
    %mul3A = arith.mulf %sub3A_28, %sub3A_28 : vector<4096x256xf32>
    %reduce_sum3A_29 = arith.constant dense<0.000000e+00> : vector<256xf32>
    %reduce_sum3A_30 = vector.multi_reduction <add>, %mul3A, %reduce_sum3A_29 [0] : vector<4096x256xf32> to vector<256xf32>
    %broadcast_in_dim3A_31 = vector.shape_cast %reduce_sum3A_30 : vector<256xf32> to vector<1x256xf32>
    %div3A_32 = arith.constant 4.096000e+03 : f32
    %div3A_33 = vector.broadcast %div3A_32 : f32 to vector<1x256xf32>
    %div3A_34 = arith.divf %broadcast_in_dim3A_31, %div3A_33 : vector<1x256xf32>
    %add3A_35 = arith.constant 9.99999974E-6 : f32
    %add3A_36 = vector.broadcast %add3A_35 : f32 to vector<1x256xf32>
    %add3A_37 = arith.addf %div3A_34, %add3A_36 : vector<1x256xf32>
    %rsqrt3A = math.rsqrt %add3A_37 : vector<1x256xf32>
    %mul3A_38 = vector.broadcast %rsqrt3A : vector<1x256xf32> to vector<4096x256xf32>
    %mul3A_39 = arith.mulf %sub3A_28, %mul3A_38 : vector<4096x256xf32>
    %mul3A_40 = vector.broadcast %get3A_21 : vector<1x256xf32> to vector<4096x256xf32>
    %mul3A_41 = arith.mulf %mul3A_39, %mul3A_40 : vector<4096x256xf32>
    %add3A_42 = vector.broadcast %get3A_24 : vector<1x256xf32> to vector<4096x256xf32>
    %add3A_43 = arith.addf %mul3A_41, %add3A_42 : vector<4096x256xf32>
    %max3A = arith.constant 0.000000e+00 : f32
    %max3A_44 = vector.broadcast %max3A : f32 to vector<4096x256xf32>
    %max3A_45 = arith.maximumf %add3A_43, %max3A_44 : vector<4096x256xf32>
    %get3A_46 = arith.constant 0 : index
    %get3A_47 = arith.constant 0 : index
    %get3A_48 = vector.load %arg7[%get3A_46, %get3A_47] : memref<256x128xf32, #tpu.memory_space<vmem>>, vector<256x128xf32>
    %dot_general3A_49 = arith.constant dense<0.000000e+00> : vector<4096x128xf32>
    %dot_general3A_50 = tpu.matmul %max3A_45, %get3A_48, %dot_general3A_49 {dimension_numbers = #tpu.dot_dimension_numbers<[1], [0], [0], [1], [0, 0, 1, 1], [], []>, transpose_lhs_hint = false} : vector<4096x256xf32>, vector<256x128xf32>, vector<4096x128xf32> -> vector<4096x128xf32>
    %get3A_51 = arith.constant 0 : index
    %get3A_52 = arith.constant 0 : index
    %get3A_53 = vector.load %arg8[%get3A_51, %get3A_52] : memref<1x128xf32, #tpu.memory_space<vmem>>, vector<1x128xf32>
    %add3A_54 = vector.broadcast %get3A_53 : vector<1x128xf32> to vector<4096x128xf32>
    %add3A_55 = arith.addf %dot_general3A_50, %add3A_54 : vector<4096x128xf32>
    %get3A_56 = arith.constant 0 : index
    %get3A_57 = arith.constant 0 : index
    %get3A_58 = vector.load %arg9[%get3A_56, %get3A_57] : memref<1x128xf32, #tpu.memory_space<vmem>>, vector<1x128xf32>
    %get3A_59 = arith.constant 0 : index
    %get3A_60 = arith.constant 0 : index
    %get3A_61 = vector.load %arg10[%get3A_59, %get3A_60] : memref<1x128xf32, #tpu.memory_space<vmem>>, vector<1x128xf32>
    %reduce_sum3A_62 = arith.constant dense<0.000000e+00> : vector<128xf32>
    %reduce_sum3A_63 = vector.multi_reduction <add>, %add3A_55, %reduce_sum3A_62 [0] : vector<4096x128xf32> to vector<128xf32>
    %broadcast_in_dim3A_64 = vector.shape_cast %reduce_sum3A_63 : vector<128xf32> to vector<1x128xf32>
    %div3A_65 = arith.constant 4.096000e+03 : f32
    %div3A_66 = vector.broadcast %div3A_65 : f32 to vector<1x128xf32>
    %div3A_67 = arith.divf %broadcast_in_dim3A_64, %div3A_66 : vector<1x128xf32>
    %sub3A_68 = vector.broadcast %div3A_67 : vector<1x128xf32> to vector<4096x128xf32>
    %sub3A_69 = arith.subf %add3A_55, %sub3A_68 : vector<4096x128xf32>
    %mul3A_70 = arith.mulf %sub3A_69, %sub3A_69 : vector<4096x128xf32>
    %reduce_sum3A_71 = arith.constant dense<0.000000e+00> : vector<128xf32>
    %reduce_sum3A_72 = vector.multi_reduction <add>, %mul3A_70, %reduce_sum3A_71 [0] : vector<4096x128xf32> to vector<128xf32>
    %broadcast_in_dim3A_73 = vector.shape_cast %reduce_sum3A_72 : vector<128xf32> to vector<1x128xf32>
    %div3A_74 = arith.constant 4.096000e+03 : f32
    %div3A_75 = vector.broadcast %div3A_74 : f32 to vector<1x128xf32>
    %div3A_76 = arith.divf %broadcast_in_dim3A_73, %div3A_75 : vector<1x128xf32>
    %add3A_77 = arith.constant 9.99999974E-6 : f32
    %add3A_78 = vector.broadcast %add3A_77 : f32 to vector<1x128xf32>
    %add3A_79 = arith.addf %div3A_76, %add3A_78 : vector<1x128xf32>
    %rsqrt3A_80 = math.rsqrt %add3A_79 : vector<1x128xf32>
    %mul3A_81 = vector.broadcast %rsqrt3A_80 : vector<1x128xf32> to vector<4096x128xf32>
    %mul3A_82 = arith.mulf %sub3A_69, %mul3A_81 : vector<4096x128xf32>
    %mul3A_83 = vector.broadcast %get3A_58 : vector<1x128xf32> to vector<4096x128xf32>
    %mul3A_84 = arith.mulf %mul3A_82, %mul3A_83 : vector<4096x128xf32>
    %add3A_85 = vector.broadcast %get3A_61 : vector<1x128xf32> to vector<4096x128xf32>
    %add3A_86 = arith.addf %mul3A_84, %add3A_85 : vector<4096x128xf32>
    %max3A_87 = arith.constant 0.000000e+00 : f32
    %max3A_88 = vector.broadcast %max3A_87 : f32 to vector<4096x128xf32>
    %max3A_89 = arith.maximumf %add3A_86, %max3A_88 : vector<4096x128xf32>
    %get3A_90 = arith.constant 0 : index
    %get3A_91 = arith.constant 0 : index
    %get3A_92 = vector.load %arg11[%get3A_90, %get3A_91] : memref<128x64xf32, #tpu.memory_space<vmem>>, vector<128x64xf32>
    %dot_general3A_93 = arith.constant dense<0.000000e+00> : vector<4096x64xf32>
    %dot_general3A_94 = tpu.matmul %max3A_89, %get3A_92, %dot_general3A_93 {dimension_numbers = #tpu.dot_dimension_numbers<[1], [0], [0], [1], [0, 0, 1, 1], [], []>, transpose_lhs_hint = false} : vector<4096x128xf32>, vector<128x64xf32>, vector<4096x64xf32> -> vector<4096x64xf32>
    %get3A_95 = arith.constant 0 : index
    %get3A_96 = arith.constant 0 : index
    %get3A_97 = vector.load %arg12[%get3A_95, %get3A_96] : memref<1x64xf32, #tpu.memory_space<vmem>>, vector<1x64xf32>
    %add3A_98 = vector.broadcast %get3A_97 : vector<1x64xf32> to vector<4096x64xf32>
    %add3A_99 = arith.addf %dot_general3A_94, %add3A_98 : vector<4096x64xf32>
    %get3A_100 = arith.constant 0 : index
    %get3A_101 = arith.constant 0 : index
    %get3A_102 = vector.load %arg13[%get3A_100, %get3A_101] : memref<1x64xf32, #tpu.memory_space<vmem>>, vector<1x64xf32>
    %get3A_103 = arith.constant 0 : index
    %get3A_104 = arith.constant 0 : index
    %get3A_105 = vector.load %arg14[%get3A_103, %get3A_104] : memref<1x64xf32, #tpu.memory_space<vmem>>, vector<1x64xf32>
    %reduce_sum3A_106 = arith.constant dense<0.000000e+00> : vector<64xf32>
    %reduce_sum3A_107 = vector.multi_reduction <add>, %add3A_99, %reduce_sum3A_106 [0] : vector<4096x64xf32> to vector<64xf32>
    %broadcast_in_dim3A_108 = vector.shape_cast %reduce_sum3A_107 : vector<64xf32> to vector<1x64xf32>
    %div3A_109 = arith.constant 4.096000e+03 : f32
    %div3A_110 = vector.broadcast %div3A_109 : f32 to vector<1x64xf32>
    %div3A_111 = arith.divf %broadcast_in_dim3A_108, %div3A_110 : vector<1x64xf32>
    %sub3A_112 = vector.broadcast %div3A_111 : vector<1x64xf32> to vector<4096x64xf32>
    %sub3A_113 = arith.subf %add3A_99, %sub3A_112 : vector<4096x64xf32>
    %mul3A_114 = arith.mulf %sub3A_113, %sub3A_113 : vector<4096x64xf32>
    %reduce_sum3A_115 = arith.constant dense<0.000000e+00> : vector<64xf32>
    %reduce_sum3A_116 = vector.multi_reduction <add>, %mul3A_114, %reduce_sum3A_115 [0] : vector<4096x64xf32> to vector<64xf32>
    %broadcast_in_dim3A_117 = vector.shape_cast %reduce_sum3A_116 : vector<64xf32> to vector<1x64xf32>
    %div3A_118 = arith.constant 4.096000e+03 : f32
    %div3A_119 = vector.broadcast %div3A_118 : f32 to vector<1x64xf32>
    %div3A_120 = arith.divf %broadcast_in_dim3A_117, %div3A_119 : vector<1x64xf32>
    %add3A_121 = arith.constant 9.99999974E-6 : f32
    %add3A_122 = vector.broadcast %add3A_121 : f32 to vector<1x64xf32>
    %add3A_123 = arith.addf %div3A_120, %add3A_122 : vector<1x64xf32>
    %rsqrt3A_124 = math.rsqrt %add3A_123 : vector<1x64xf32>
    %mul3A_125 = vector.broadcast %rsqrt3A_124 : vector<1x64xf32> to vector<4096x64xf32>
    %mul3A_126 = arith.mulf %sub3A_113, %mul3A_125 : vector<4096x64xf32>
    %mul3A_127 = vector.broadcast %get3A_102 : vector<1x64xf32> to vector<4096x64xf32>
    %mul3A_128 = arith.mulf %mul3A_126, %mul3A_127 : vector<4096x64xf32>
    %add3A_129 = vector.broadcast %get3A_105 : vector<1x64xf32> to vector<4096x64xf32>
    %add3A_130 = arith.addf %mul3A_128, %add3A_129 : vector<4096x64xf32>
    %max3A_131 = arith.constant 0.000000e+00 : f32
    %max3A_132 = vector.broadcast %max3A_131 : f32 to vector<4096x64xf32>
    %max3A_133 = arith.maximumf %add3A_130, %max3A_132 : vector<4096x64xf32>
    %get3A_134 = arith.constant 0 : index
    %get3A_135 = arith.constant 0 : index
    %get3A_136 = vector.load %arg15[%get3A_134, %get3A_135] : memref<64x1xf32, #tpu.memory_space<vmem>>, vector<64x1xf32>
    %dot_general3A_137 = arith.constant dense<0.000000e+00> : vector<4096x1xf32>
    %dot_general3A_138 = tpu.matmul %max3A_133, %get3A_136, %dot_general3A_137 {dimension_numbers = #tpu.dot_dimension_numbers<[1], [0], [0], [1], [0, 0, 1, 1], [], []>, transpose_lhs_hint = false} : vector<4096x64xf32>, vector<64x1xf32>, vector<4096x1xf32> -> vector<4096x1xf32>
    %get3A_139 = arith.constant 0 : index
    %get3A_140 = arith.constant 0 : index
    %get3A_141 = vector.load %arg16[%get3A_139, %get3A_140] : memref<1x1xf32, #tpu.memory_space<vmem>>, vector<1x1xf32>
    %add3A_142 = vector.broadcast %get3A_141 : vector<1x1xf32> to vector<4096x1xf32>
    %add3A_143 = arith.addf %dot_general3A_138, %add3A_142 : vector<4096x1xf32>
    %swap3A = arith.constant 0 : index
    %swap3A_144 = arith.constant 0 : index
    %swap3A_145 = vector.load %arg17[%swap3A, %swap3A_144] : memref<4096x1xf32, #tpu.memory_space<vmem>>, vector<4096x1xf32>
    tpu.vector_store %arg17[%swap3A, %swap3A_144], %add3A_143 {strides = array<i32>} : memref<4096x1xf32, #tpu.memory_space<vmem>>, vector<4096x1xf32>,
    return
  }
}

</mosaic_0001>

<sc_bundles>
// kernel: kernel.4.cloned.1.call-start
scs
__scs_entry_jumppad:
0x0: {  	(pc) =	sbr.rel $0x88, $3  }
0x1: {  	(tag) =	ssettag $0x0;
	lr =	simm.s32 $0x1  }
0x2: {  	[smem:$0x3F90] =	sst lr;
	_ =	strace $0xD0000000  }
0x3: {  	_ = 	snop  }
0x4: {  	_ = 	snop  }
0x5: {  	_ = 	snop  }
0x6: {  	_ = 	snop  }
0x7: {  	_ = 	snop  }
__scs_overlays_trampoline_lowered:
0x8: {  	[smem:$0x3F9F] =	sst s0  }
0x9: {  	[smem:$0x3FA0] =	sst s1  }
0xa: {  	[smem:$0x3FA1] =	sst s2  }
0xb: {  	[smem:$0x3FA2] =	sst s3  }
0xc: {  	[smem:$0x3FA3] =	sst s4  }
0xd: {  	[smem:$0x3FA4] =	sst s5  }
0xe: {  	[smem:$0x3FA5] =	sst s6  }
0xf: {  	[smem:$0x3FA6] =	sst s7  }
0x10: {  	[smem:$0x3FA7] =	sst s8  }
0x11: {  	[smem:$0x3FA8] =	sst s9;
	s0 =	simm.s32 @!p0 $0x0  }
0x12: {  	s1 =	sld [smem:$0x3F8E];
	s0 =	simm.s32 @p0 $0x1  }
0x13: {  	[smem:$0x3FA9] =	sst s0;
	s0 =	simm.s32 @!p1 $0x0  }
0x14: {  	s2 =	sld [smem:$0x3F8D];
	s0 =	simm.s32 @p1 $0x1  }
0x15: {  	[smem:$0x3FAA] =	sst s0;
	s0 =	simm.s32 @!p2 $0x0  }
0x16: {  	s3 =	sld [smem:$0x3FDB];
	s0 =	simm.s32 @p2 $0x1  }
0x17: {  	s4 =	simm.s32 $0x1BF5;
	[smem:$0x3FAC] =	sst s0  }
0x18: {  	s0 =	sld [smem:$0x3F8F];
	_ =	swait.ge [sflag:s4], $0x0  }
0x19: {  	s7 =	sld [smem:$0x3F90]  }
0x1a: {  	s8 =	sadd.s32 $0xFFFFE003, lr  }
0x1b: {  	s9 =	sadd.s32 $0xFFFFFEF7, lr;
	s5 =	simm.s32 $0xFFFFFFFF;
	p2 =	slt.u32 s8, $0xFFFFF086  }
0x1c: {  	p1 =	slt.u32 s9, $0xF7A;
	s5 =	simm.s32 @!p2 $0x0  }
0x1d: {  	s5 =	simm.s32 @p1 $0x1;
	p0 =	seq.s32 s7, s2  }
0x1e: {  	s7 =	smul.u32 @!p0 $0xF7A, s2;
	p2 =	seq.s32 @!p0 s5, $0x0  }
0x1f: {  	s9 =	smul.u32 $0xF7A, s1;
	s8 =	simm.s32 @!p0 $0x1BF5;
	p2 =	por !p2, p0  }
0x20: {  	[sflag:s8] =	ssyncset.s32 @!p0 $0xFFFFF086;
	s6 =	sadd.s32 @!p0 s3, s7;
	s7 =	simm.s32 @!p0 $0x108  }
0x21: {  	s3 =	sadd.s32 s3, s9;
	s6 =	sadd.s32 @!p0 $0x88, s6;
	s7 =	simm.s32 @p2 $0x1082  }
0x22: {  	[simem:s7], [sflag:s8] =	dma.local @!p0 [hbm:s6], $0xF7A  }
0x23: {  	s9 =	sor.u32 $0xD0000000, s2;
	s6 =	simm.s32 $0x108;
	_ =	swait.ge @!p0 [sflag:s8], $0x0  }
0x24: {  	s3 =	sadd.s32 $0x88, s3;
	s6 =	simm.s32 @!p1 $0x1082;
	[sflag:s4] =	ssyncset.s32 $0xFFFFF086  }
0x25: {  	[simem:s6], [sflag:s4] =	dma.local [hbm:s3], $0xF7A  }
0x26: {  	[smem:$0x3F90] =	sst s1;
	(tag) =	ssettag s2;
	_ =	strace s9  }
0x27: {  	s1 =	sld [smem:$0x3FA0]  }
0x28: {  	s2 =	sld [smem:$0x3FA1]  }
0x29: {  	s4 =	sld [smem:$0x3FA3]  }
0x2a: {  	p0 =	seq.s32 s5, $0x0;
	s5 =	sld [smem:$0x3FA4]  }
0x2b: {  	s6 =	sld [smem:$0x3FA5]  }
0x2c: {  	s7 =	sld [smem:$0x3FA6]  }
0x2d: {  	s3 =	simm.s32 $0x108;
	s8 =	sld [smem:$0x3FA7]  }
0x2e: {  	s3 =	simm.s32 @!p0 $0x1082;
	s9 =	sld [smem:$0x3FA8]  }
0x2f: {  	lr =	sadd.s32 s0, s3;
	s0 =	sld [smem:$0x3F9F]  }
0x30: {  	s3 =	sld [smem:$0x3FA2]  }
0x31: {  	[smem:$0x3FAB] =	sst s10  }
0x32: {  	s10 =	sld [smem:$0x3FA9];
	_ =	sdelay $0x3  }
0x33: {  	p0 =	seq.s32 s10, $0x1;
	s10 =	sld [smem:$0x3FAB];
	_ =	sdelay $0x3  }
0x34: {  	[smem:$0x3FAB] =	sst s10  }
0x35: {  	s10 =	sld [smem:$0x3FAA];
	_ =	sdelay $0x3  }
0x36: {  	p1 =	seq.s32 s10, $0x1;
	s10 =	sld [smem:$0x3FAB];
	_ =	sdelay $0x3  }
0x37: {  	[smem:$0x3FAB] =	sst s10  }
0x38: {  	s10 =	sld [smem:$0x3FAC]  }
0x39: {  	_ = 	snop;
	(pc) =	sbr.ind lr, $3  }
0x3a: {  	_ = 	snop  }
0x3b: {  	_ = 	snop  }
0x3c: {  	p2 =	seq.s32 s10, $0x1;
	s10 =	sld [smem:$0x3FAB]  }
0x3d: {  	_ =	shalt  }
0x3e: {  	_ =	shalt  }
0x3f: {  	_ =	shalt  }
0x40: {  	_ =	shalt  }
0x41: {  	_ =	shalt  }
0x42: {  	_ =	shalt  }
0x43: {  	_ =	shalt  }
0x44: {  	_ =	shalt  }
0x45: {  	_ =	shalt  }
0x46: {  	_ =	shalt  }
0x47: {  	_ =	shalt  }
0x48: {  	_ =	shalt  }
0x49: {  	_ =	shalt  }
0x4a: {  	_ =	shalt  }
0x4b: {  	_ =	shalt  }
0x4c: {  	_ =	shalt  }
0x4d: {  	_ =	shalt  }
0x4e: {  	_ =	shalt  }
0x4f: {  	_ =	shalt  }
0x50: {  	_ =	shalt  }
0x51: {  	_ =	shalt  }
0x52: {  	_ =	shalt  }
0x53: {  	_ =	shalt  }
0x54: {  	_ =	shalt  }
0x55: {  	_ =	shalt  }
0x56: {  	_ =	shalt  }
0x57: {  	_ =	shalt  }
0x58: {  	_ =	shalt  }
0x59: {  	_ =	shalt  }
0x5a: {  	_ =	shalt  }
0x5b: {  	_ =	shalt  }
0x5c: {  	_ =	shalt  }
0x5d: {  	_ =	shalt  }
0x5e: {  	_ =	shalt  }
0x5f: {  	_ =	shalt  }
0x60: {  	_ =	shalt  }
0x61: {  	_ =	shalt  }
0x62: {  	_ =	shalt  }
0x63: {  	_ =	shalt  }
0x64: {  	_ =	shalt  }
0x65: {  	_ =	shalt  }
0x66: {  	_ =	shalt  }
0x67: {  	_ =	shalt  }
0x68: {  	_ =	shalt  }
0x69: {  	_ =	shalt  }
0x6a: {  	_ =	shalt  }
0x6b: {  	_ =	shalt  }
0x6c: {  	_ =	shalt  }
0x6d: {  	_ =	shalt  }
0x6e: {  	_ =	shalt  }
0x6f: {  	_ =	shalt  }
0x70: {  	_ =	shalt  }
0x71: {  	_ =	shalt  }
0x72: {  	_ =	shalt  }
0x73: {  	_ =	shalt  }
0x74: {  	_ =	shalt  }
0x75: {  	_ =	shalt  }
0x76: {  	_ =	shalt  }
0x77: {  	_ =	shalt  }
0x78: {  	_ =	shalt  }
0x79: {  	_ =	shalt  }
0x7a: {  	_ =	shalt  }
0x7b: {  	_ =	shalt  }
0x7c: {  	_ =	shalt  }
0x7d: {  	_ =	shalt  }
0x7e: {  	_ =	shalt  }
0x7f: {  	_ =	shalt  }
0x80: {  	_ =	shalt  }
0x81: {  	_ =	shalt  }
0x82: {  	_ =	shalt  }
0x83: {  	_ =	shalt  }
0x84: {  	_ =	shalt  }
0x85: {  	_ =	shalt  }
0x86: {  	_ =	shalt  }
0x87: {  	_ =	shalt  }
.Lfunc_end0:
.L_simem_size_0:
called_computation_lowered:
.L_overlay_start_0:
0x88: {  	s2 =	sld [smem:$0x3FD9]  }
0x89: {  	s3 =	sld [smem:$0x3FFE];
	_ =	sdelay $0x1  }
0x8a: {  	s1 =	srdreg.scid  }
0x8b: {  	s0 =	sand.u32 $0x1, s1  }
0x8c: {  	s17 =	sshll.u32 s0, $0xA;
	s2 =	sadd.s32 s3, s2  }
0x8d: {  	s2 =	sadd.s32 s2, s17  }
0x8e: {  	[smem:$0x3FB7] =	sst s2  }
0x8f: {  	_ = 	snop  }
0x90: {  	s2 =	sld [smem:$0x3FC9]  }
0x91: {  	s18 =	sld [smem:$0x3FC7];
	(tm) =	ssettm $0x1  }
0x92: {  	s4 =	sld [smem:$0x3FFB];
	_ =	sdelay $0x3  }
0x93: {  	_ =	strace s4  }
0x94: {  	s4 =	sld [smem:$0x3FFC];
	_ =	sdelay $0x3  }
0x95: {  	_ =	strace s4  }
0x96: {  	s4 =	sld [smem:$0x3FFD];
	_ =	sdelay $0x3  }
0x97: {  	_ =	strace s4  }
0x98: {  	_ =	strace $0x8FFFFFFF  }
0x99: {  	s19 =	sld [smem:$0x3FDB];
	_ =	sdelay $0x1  }
0x9a: {  	s5 =	simm.s32 $_scs_section_size  }
0x9b: {  	s6 =	simm.s32 $_size__tile_overlayer_lowered;
	s7 =	simm.s32 $_tile_overlayer_lowered  }
0x9c: {  	s22 =	simm.s32 $0x1BFF;
	s21 =	sshll.u32 s7, $0x1;
	s4 =	sadd.s32 s5, s19  }
0x9d: {  	s8 =	simm.s32 $0x0;
	s20 =	sshll.u32 s6, $0x1;
	s6 =	sadd.s32 s21, s4  }
0x9e: {  	[timem:s8], [sflag:s22] =	dma.local [hbm:s6], s20  }
0x9f: {  	_ =	swait.ge [sflag:s22], s20  }
0xa0: {  	s5 =	ssub.s32 $0x0, s20;
	[sflag:s22] =	ssyncset.done $0x0  }
0xa1: {  	[sflag:s22] =	ssyncadd.s32 s5;
	_ =	sdelay $0x1  }
0xa2: {  	s23 =	simm.s32 $0x1B8B  }
0xa3: {  	_ =	swait.ge [sflag:s23], $0x1  }
0xa4: {  	[sflag:s23] =	ssyncset.done $0x0  }
0xa5: {  	s25 =	simm.s32 $0x1B8E;
	s24 =	sld [smem:$0x3FFE];
	[sflag:s23] =	ssyncadd.s32 $0xFFFFFFFF  }
0xa6: {  	s26 =	simm.s32 $execute0_lowered;
	[smem:$0x3FD2] =	sst s25  }
0xa7: {  	s6 =	sshll.u32 s26, $0x1;
	_ =	strace $0x80000046;
	[dreg:$0x1] =	wrdreg $0xFFFFFFFF  }
0xa8: {  	s28 =	simm.s32 $_size_execute0_lowered;
	s4 =	sadd.s32 s4, s6;
	[dreg:$0x0] =	wrdreg $0x0  }
0xa9: {  	s6 =	sshll.u32 s28, $0x1;
	[dreg:$0x2] =	wrdreg s4  }
0xaa: {  	[dreg:$0x3] =	wrdreg s6  }
0xab: {  	[dreg:$0x4] =	wrdreg $0xC0  }
0xac: {  	_ =	task [dreg:s8], $0x5FFFF  }
0xad: {  	[dreg:$0x1] =	wrdreg $0xFFFFFFFF  }
0xae: {  	[dreg:$0x0] =	wrdreg $0x60  }
0xaf: {  	[dreg:$0x2] =	wrdreg s2  }
0xb0: {  	[dreg:$0x3] =	wrdreg s18  }
0xb1: {  	[dreg:$0x4] =	wrdreg s24  }
0xb2: {  	[dreg:$0x5] =	wrdreg $0x9  }
0xb3: {  	_ =	task.clear_ibuf [dreg:s8], $0x6FFFF;
	_ =	strace $0x90000046  }
0xb4: {  	s29 =	simm.s32 $0x9;
	_ =	strace $0x80000048  }
0xb5: {  	_ =	swait.ge [sflag:s29], $0x1  }
0xb6: {  	[sflag:s29] =	ssyncadd.s32 $0xFFFFFFFF  }
0xb7: {  	_ =	strace $0x90000048  }
0xb8: {  	_ =	sfence  }
0xb9: {  	s30 =	sld [smem:$0x0];
	_ =	sdelay $0x2  }
0xba: {  	s31 =	sshll.u32 s1, $0xD;
	s1 =	sshrl.u32 s1, $0x2  }
0xbb: {  	s3 =	sand.u32 $0x4000, s31;
	s1 =	sadd.s32 s1, s30  }
0xbc: {  	s0 =	sor.u32 s3, s0;
	s1 =	sshll.u32 s1, $0x11  }
0xbd: {  	s0 =	sor.u32 s1, s0  }
0xbe: {  	s0 =	sadd.s32 $0x8F2B, s0  }
0xbf: {  	[sflag:s0] =	ssyncadd.remote.s32 $0x1  }
0xc0: {  	_ =	sfence.sel $0xFFFF  }
0xc1: {  	[dreg:$0x0] =	wrdreg $0xFFFFFFFF;
	(pc) =	sbr.abs _section_cstart, $3  }
0xc2: {  	[dreg:$0x1] =	wrdreg $0xFFFFFFFF  }
0xc3: {  	_ =	task.clear_ibuf [dreg:s8], $0x2FFFF;
	_ =	strace $0x9FFFFFFF  }
0xc4: {  	(tm) =	ssettm $0x7FFFFFFF  }
0xc5: {  	_ =	shalt  }
tec
execute0_lowered:
.L_overlay_start_1:
0x0: {  	(tag) =	ssettag $0x1  }
0x1: {  	s1 =	srdreg.scid  }
0x2: {  	s0 =	stileid.u32;
	s2 =	rddreg [dreg:$0x0]  }
0x3: {  	s4 =	rddreg [dreg:$0x1];
	s6 =	sand.u32 $0x1, s1;
	s25 =	sshll.u32 s0, $0x1  }
0x4: {  	s8 =	rddreg [dreg:$0x2];
	s1 =	sor.u32 s6, s25  }
0x5: {  	s11 =	simm.s32 $0x80;
	s12 =	simm.s32 $0x400;
	s1 =	smul.u32 $0x1A, s1  }
0x6: {  	s13 =	simm.s32 $0x1000;
	s14 =	simm.s32 $0xD800;
	s15 =	simm.s32 $0x1  }
0x7: {  	s16 =	simm.s32 $0x2;
	s3 =	sshrl.u32 s1, $0x5;
	s5 =	sand.u32 $0x18, s1  }
0x8: {  	s17 =	simm.s32 $0x19700;
	s7 =	smul.u32 $0x30E000, s3;
	s26 =	sshrl.u32 s5, $0x3  }
0x9: {  	s18 =	simm.s32 $0x3;
	s29 =	ssub.s32 $0x2, s6;
	s9 =	smul.u32 $0xC3800, s26  }
0xa: {  	s6 =	sadd.s32 $0x1E00, s8;
	s30 =	sshrl.u32 s29, $0x1;
	s10 =	sshll.u32 s1, $0x7  }
0xb: {  	s3 =	rddreg [dreg:$0x3];
	s28 =	sand.u32 $0x300, s10;
	s7 =	sadd.s32 s7, s9  }
0xc: {  	s5 =	simm.s32 $0x0;
	s10 =	ssub.s32 s29, s30;
	s7 =	sor.u32 s28, s7  }
0xd: {  	[smem:$0x7FF] =	sst s5;
	s10 =	smax.u32 s10, $0x1;
	s9 =	sadd.s32 $0x64000, s7  }
0xe: {  	_ =	strace $0x80000047;
	s7 =	sshrl.u32 s7, $0x3;
	s31 =	sshrl.u32 s9, $0x3  }
0xf: {  	s7 =	sadd.s32 s4, s7;
	s9 =	sor.u32 $0x1, s1;
	s8 =	sadd.s32 s4, s31  }
.LBB2_1:
0x10: {  	[tilespmem:s13], [sflag:$0x1] =	stream.strided.gather [hbm4b:s7+s11], $0xC800, s12, s11, $0x38;
	[tilespmem:$0x1A700] =	vst v63  }
0x11: {  	s20 =	simm.s32 $0xFFFFFFFF;
	s19 =	simm.s32 $0x0  }
0x12: {  	[tilespmem:s14], [sflag:$0x2] =	stream.strided.gather [hbm4b:s8+s11], $0xBF00, s12, s11, $0x38;
	[tilespmem:$0x1A700] =	vst v63  }
.LBB2_2:
0x13: {  	s21 =	sadd.s32 s1, s19  }
0x14: {  	s22 =	smov.u32 s20;
	s20 =	sshrl.u32 s21, $0x5  }
0x15: {  	p0 =	seq.s32 s20, s22  }
0x16: {  	s22 =	sshll.u32 @!p0 s20, $0x4  }
0x17: {  	s23 =	sshll.u32 @!p0 s20, $0x9;
	s22 =	sand.u32 @!p0 $0x70, s22  }
0x18: {  	s24 =	simm.s32 @!p0 $0x400;
	s23 =	sand.u32 @!p0 $0xFFFF000, s23;
	s22 =	sadd.s32 @!p0 s2, s22  }
0x19: {  	s25 =	simm.s32 @!p0 $0x0;
	s22 =	sadd.s32 @!p0 s23, s22;
	s23 =	simm.s32 @!p0 $0x80  }
0x1a: {  	[tilespmem:s25], [sflag:$0x3] =	stream.strided.gather @!p0 [hbm4b:s22+s23], $0x1000, s24, s23, $0x38;
	[tilespmem:$0x1A700] =	vst v63  }
0x1b: {  	s22 =	simm.s32 @!p0 $0x3  }
0x1c: {  	_ =	swait.ge @!p0 [sflag:s22], $0x1000  }
0x1d: {  	[sflag:s22] =	ssyncset.done @!p0 $0x0  }
0x1e: {  	[sflag:s22] =	ssyncadd.s32 @!p0 $0xFFFFF000  }
0x1f: {  	_ =	swait.ge [sflag:s15], $0xC800  }
0x20: {  	[sflag:s15] =	ssyncset.done $0x0  }
0x21: {  	s22 =	simm.s32 $0x0;
	[sflag:s15] =	ssyncadd.s32 $0xFFFF3800  }
0x22: {  	v0 =	vld [tilespmem:s22+$0x0];
	_ =	sdelay $0x4  }
0x23: {  	s23 =	simm.s32 $0x10;
	vm0 =	vgt.s32 v0, $0x0  }
0x24: {  	v1 =	vld [tilespmem:s23+$0x0];
	v0 =	vnsel vm0, $0x0, v0  }
0x25: {  	v0 =	vmin.u32 v0, $0xC7FF;
	_ =	sdelay $0x3  }
0x26: {  	vm15 =	vgt.s32 v1, $0x0  }
0x27: {  	s25 =	simm.s32 $0x20;
	s24 =	simm.s32 $0xC0;
	v1 =	vnsel vm15, $0x0, v1;
	v0 =	vld.idx.msk [tilespmem:v0+s13+$0x0], $0xffff  }
.LBB2_3:
0x28: {  	p0 =	sne.s32 s24, $0x3FC0;
	v2 =	vld [tilespmem:s25+$0x0];
	v1 =	vmin.u32 v1, $0xC7FF;
	_ =	sdelay $0x1  }
.Ltmp0:
0x29: {  	(pc) =	sbr.rel @p0 .LBB2_3-.Ltmp0, $4  }
0x2a: {  	_ = 	snop  }
0x2b: {  	[tilespmem:s22+$0x19700] =	vst v0;
	s22 =	smov.u32 s23;
	s23 =	smov.u32 s25  }
0x2c: {  	vm0 =	vgt.s32 v2, $0x0;
	v0 =	vld.idx.msk [tilespmem:v1+s13+$0x0], $0xffff  }
0x2d: {  	s25 =	sshra.s32 s24, $0x2;
	s24 =	sadd.s32 $0x40, s24;
	v1 =	vnsel vm0, $0x0, v2  }
0x2e: {  	v2 =	vld [tilespmem:s25+$0x0]  }
0x2f: {  	v1 =	vmin.u32 v1, $0xC7FF;
	_ =	sdelay $0x3  }
0x30: {  	[tilespmem:s22+$0x19700] =	vst v0;
	vm0 =	vgt.s32 v2, $0x0  }
0x31: {  	v0 =	vld.idx.msk [tilespmem:v1+s13+$0x0], $0xffff;
	v1 =	vnsel vm0, $0x0, v2  }
0x32: {  	v1 =	vmin.u32 v1, $0xC7FF  }
0x33: {  	p0 =	seq.s32 s19, $0x19  }
0x34: {  	s24 =	sadd.s32 @!p0 s19, s9  }
0x35: {  	s26 =	sand.u32 @!p0 $0x18, s24;
	s22 =	sshrl.u32 @!p0 s24, $0x5  }
0x36: {  	s26 =	sshrl.u32 @!p0 s26, $0x3;
	s22 =	smul.u32 @!p0 $0x30E000, s22;
	[tilespmem:s23+$0x19700] =	vst v0  }
0x37: {  	s23 =	smul.u32 @!p0 $0xC3800, s26;
	v0 =	vld.idx.msk [tilespmem:v1+s13+$0x0], $0xffff  }
0x38: {  	s24 =	sshll.u32 @!p0 s24, $0x7  }
0x39: {  	s24 =	sand.u32 @!p0 $0x380, s24;
	s26 =	sadd.s32 @!p0 s22, s23  }
0x3a: {  	s26 =	sor.u32 @!p0 s24, s26  }
0x3b: {  	s28 =	simm.s32 @!p0 $0x400;
	s26 =	sshrl.u32 @!p0 s26, $0x3  }
0x3c: {  	s29 =	simm.s32 @!p0 $0x1000;
	s26 =	sadd.s32 @!p0 s4, s26;
	[tilespmem:s25+$0x19700] =	vst v0;
	s25 =	simm.s32 @!p0 $0x80  }
0x3d: {  	[tilespmem:s29], [sflag:$0x1] =	stream.strided.gather @!p0 [hbm4b:s26+s25], $0xC800, s28, s25, $0x38;
	[tilespmem:$0x1A700] =	vst v63  }
0x3e: {  	_ =	swait.ge [sflag:s16], $0xBF00  }
0x3f: {  	[sflag:s16] =	ssyncset.done $0x0  }
0x40: {  	s26 =	simm.s32 $0x0;
	[sflag:s16] =	ssyncadd.s32 $0xFFFF4100  }
0x41: {  	v0 =	vld [tilespmem:s26+$0x0];
	_ =	sdelay $0x4  }
0x42: {  	v1 =	vadd.s32 $0xFFFF3800, v0  }
0x43: {  	s25 =	simm.s32 $0x10;
	vm14 =	vgt.s32 v1, $0x0  }
0x44: {  	v2 =	vnsel vm14, $0x0, v1;
	v1 =	vld [tilespmem:s25+$0x0]  }
0x45: {  	v2 =	vmin.u32 v2, $0xBE9F;
	_ =	sdelay $0x3  }
0x46: {  	v3 =	vld [tilespmem:s26+$0x19700];
	v4 =	vadd.s32 $0xFFFF3800, v1  }
0x47: {  	v2 =	vld.idx.msk [tilespmem:v2+s14+$0x0], $0xffff;
	vm15 =	vgt.s32 v4, $0x0  }
0x48: {  	s28 =	simm.s32 $0x20;
	s29 =	simm.s32 $0xC0;
	v4 =	vnsel vm15, $0x0, v4  }
.LBB2_5:
0x49: {  	p1 =	sne.s32 s29, $0x3FC0;
	v5 =	vld [tilespmem:s28+$0x0];
	v4 =	vmin.u32 v4, $0xBE9F;
	_ =	sdelay $0x1  }
0x4a: {  	vm0 =	vgt.s32 v0, $0xC7FF;
	v0 =	vmov v1  }
.Ltmp1:
0x4b: {  	v3 =	vsel vm0, v2, v3;
	(pc) =	sbr.rel @p1 .LBB2_5-.Ltmp1, $4  }
0x4c: {  	[tilespmem:s26+$0x19700] =	vst v3;
	s26 =	smov.u32 s25;
	s25 =	smov.u32 s28  }
0x4d: {  	v6 =	vadd.s32 $0xFFFF3800, v5;
	v2 =	vld.idx.msk [tilespmem:v4+s14+$0x0], $0xffff;
	v1 =	vmov v5  }
0x4e: {  	vm0 =	vgt.s32 v6, $0x0;
	v3 =	vld [tilespmem:s26+$0x19700]  }
0x4f: {  	s28 =	sshra.s32 s29, $0x2;
	s29 =	sadd.s32 $0x40, s29;
	v4 =	vnsel vm0, $0x0, v6  }
0x50: {  	v4 =	vmin.u32 v4, $0xBE9F  }
0x51: {  	v5 =	vld [tilespmem:s28+$0x0]  }
0x52: {  	vm0 =	vgt.s32 v0, $0xC7FF  }
0x53: {  	v0 =	vsel vm0, v2, v3  }
0x54: {  	[tilespmem:s26+$0x19700] =	vst v0  }
0x55: {  	v62 =	vld.idx.msk [tilespmem:v4+s14+$0x0], $0xffff  }
0x56: {  	v61 =	vadd.s32 $0xFFFF3800, v5;
	v63 =	vld [tilespmem:s25+$0x19700]  }
0x57: {  	vm13 =	vgt.s32 v61, $0x0  }
0x58: {  	v0 =	vnsel vm13, $0x0, v61  }
0x59: {  	v0 =	vmin.u32 v0, $0xBE9F  }
0x5a: {  	vm14 =	vgt.s32 v1, $0xC7FF  }
0x5b: {  	v1 =	vsel vm14, v62, v63  }
0x5c: {  	[tilespmem:s25+$0x19700] =	vst v1  }
0x5d: {  	v1 =	vld [tilespmem:s28+$0x19700]  }
0x5e: {  	v0 =	vld.idx.msk [tilespmem:v0+s14+$0x0], $0xffff;
	_ =	sdelay $0x1  }
0x5f: {  	s22 =	sadd.s32 @!p0 s23, s22  }
0x60: {  	s22 =	sor.u32 @!p0 s24, s22  }
0x61: {  	s22 =	sadd.s32 @!p0 $0x64000, s22;
	vm15 =	vgt.s32 v5, $0xC7FF  }
0x62: {  	s23 =	simm.s32 @!p0 $0x80;
	s30 =	sshll.u32 s21, $0x4;
	s22 =	sshrl.u32 @!p0 s22, $0x3;
	v0 =	vsel vm15, v0, v1  }
0x63: {  	s24 =	simm.s32 @!p0 $0x400;
	s22 =	sadd.s32 @!p0 s4, s22;
	s25 =	simm.s32 @!p0 $0xD800;
	[tilespmem:s28+$0x19700] =	vst v0  }
0x64: {  	[tilespmem:s25], [sflag:$0x2] =	stream.strided.gather @!p0 [hbm4b:s22+s23], $0xBF00, s24, s23, $0x38;
	[tilespmem:$0x1A700] =	vst v63  }
0x65: {  	s31 =	sshll.u32 s21, $0x9;
	s19 =	sadd.s32 $0x1, s19;
	s22 =	sand.u32 $0x70, s30  }
0x66: {  	s21 =	sand.u32 $0xFFFF000, s31;
	p0 =	sne.s32 s19, $0x1A;
	s22 =	sadd.s32 s6, s22  }
.Ltmp2:
0x67: {  	s21 =	sadd.s32 s21, s22;
	(pc) =	sbr.rel @p0 .LBB2_2-.Ltmp2, $4  }
0x68: {  	[hbm4b:s21+s11] =	stream.strided.scatter [tilespmem:s17], [sflag:$0x3], $0x1000, s12, s11, $0x38;
	[tilespmem:$0x1A700] =	vst v63  }
0x69: {  	_ =	swait.ge [sflag:s18], $0x1000  }
0x6a: {  	[sflag:s18] =	ssyncset.done $0x0  }
0x6b: {  	[sflag:s18] =	ssyncadd.s32 $0xFFFFF000  }
0x6c: {  	s5 =	sadd.s32 $0x1, s5  }
0x6d: {  	p0 =	sne.s32 s5, s10  }
.Ltmp3:
0x6e: {  	_ = 	snop;
	(pc) =	sbr.rel @p0 .LBB2_1-.Ltmp3, $1  }
0x6f: {  	_ =	sdelay $0x3  }
0x70: {  	_ =	sfence.sel $0x180000  }
0x71: {  	[bflag:$0x0] =	sbarrier.arrive $0xFFFF  }
0x72: {  	p0 =	sne.s32 s0, $0x0;
	_ =	strace $0x90000047  }
0x73: {  	s0 =	sadd.s32 @!p0 $0x100000, s3;
	[bflag:$0x2] =	sbarrier.arrive $0xFFFF  }
0x74: {  	[sflag:s0] =	ssyncadd.tile.s32 @!p0 $0x1;
	_ =	shalt  }
.Lfunc_end2:
_tile_overlayer_lowered:
.L_overlay_start_2:
0x75: {  	(tag) =	ssettag $0x2  }
0x76: {  	s0 =	rddreg [dreg:$0x0];
	s2 =	stileid.u32  }
0x77: {  	s1 =	rddreg [dreg:$0x1];
	p0 =	sne.s32 s2, $0x0  }
0x78: {  	s3 =	rddreg [dreg:$0x2];
	[bflag:$0x3] =	sbarrier.arrive $0xFFFF;
	s2 =	simm.s32 @!p0 $0x1C03  }
0x79: {  	[timem:s3], [sflag:s2] =	dma.local @!p0 [hbm:s0], s1  }
0x7a: {  	s0 =	simm.s32 @!p0 $0x3  }
0x7b: {  	_ =	swait.ge @!p0 [sflag:s0], s1  }
0x7c: {  	s1 =	ssub.s32 @!p0 $0x0, s1;
	[sflag:s0] =	ssyncset.done @!p0 $0x0  }
0x7d: {  	[sflag:s0] =	ssyncadd.s32 @!p0 s1  }
0x7e: {  	[bflag:$0x3] =	sbarrier.arrive $0xFFFF  }
0x7f: {  	_ =	shalt  }

</sc_bundles>
